<compile_context>
chip_gen: v7x
topology: tpu7x:2x2x1
jax: 0.10.2.dev20260603
libtpu: 0.0.44.dev20260713+nightly
codegen_flags: <defaults>
</compile_context>

<pallas_src>
import functools

import jax
import jax.numpy as jnp
from jax import lax
from jax.experimental import pallas as pl
from jax.experimental.pallas import tpu as pltpu, tpu_sc as plsc

_B, _T, _C = 4, 4096, 2048
_E = 8
_K = 2
_N = _B * _T

_NC, _NS, _L = 2, 16, 16
_NW = _NC * _NS
_TPW = _N // _NW
_STEPS = _TPW // _L


_NSPLIT = 4
_CS = _C // _NSPLIT


def _router_tc_body(*refs):
    x_refs = refs[:_NSPLIT]
    w_ref, b_ref, o_ref = refs[_NSPLIT], refs[_NSPLIT + 1], refs[_NSPLIT + 2]
    g = b_ref[...]
    for j in range(_NSPLIT):
        g = g + jnp.dot(
            x_refs[j][...],
            w_ref[pl.ds(j * _CS, _CS), :],
            preferred_element_type=jnp.float32,
        )
    m = jnp.max(g, axis=-1, keepdims=True)
    e = jnp.exp(g - m)
    o_ref[...] = e / jnp.sum(e, axis=-1, keepdims=True)


def _router_tc(x2, w, b2):
    bt = 512

    def _xspec(j):
        return pl.BlockSpec((bt, _CS), lambda i, j=j: (i, j))

    return pl.pallas_call(
        _router_tc_body,
        grid=(_N // bt,),
        in_specs=[_xspec(j) for j in range(_NSPLIT)]
        + [
            pl.BlockSpec((_C, _E), lambda i: (0, 0)),
            pl.BlockSpec((1, _E), lambda i: (0, 0)),
        ],
        out_specs=pl.BlockSpec((bt, _E), lambda i: (i, 0)),
        out_shape=jax.ShapeDtypeStruct((_N, _E), jnp.float32),
    )(*([x2] * _NSPLIT), w, b2)


@functools.partial(
    pl.kernel,
    out_type=(
        jax.ShapeDtypeStruct((_N * _K,), jnp.float32),
        jax.ShapeDtypeStruct((_N * _K,), jnp.int32),
    ),
    mesh=plsc.VectorSubcoreMesh(core_axis_name="c", subcore_axis_name="s"),
    compiler_params=pltpu.CompilerParams(
        needs_layout_passes=False, skip_device_barrier=True
    ),
    scratch_types=[
        pltpu.VMEM((_TPW * _E,), jnp.float32),
        pltpu.VMEM((_TPW * _K,), jnp.float32),
        pltpu.VMEM((_TPW * _K,), jnp.int32),
    ],
)
def _sc_topk(probs_hbm, outp_hbm, outi_hbm, probs_v, outp_v, outi_v):
    wid = lax.axis_index("s") * _NC + lax.axis_index("c")
    base = wid * _TPW
    pltpu.sync_copy(probs_hbm.at[pl.ds(base * _E, _TPW * _E)], probs_v)

    lanes = lax.iota(jnp.int32, _L)

    pltpu.sync_copy(outp_v, outp_hbm.at[pl.ds(base * _K, _TPW * _K)])
    pltpu.sync_copy(outi_v, outi_hbm.at[pl.ds(base * _K, _TPW * _K)])
    return

    def step(t, carry):
        row = t * _L + lanes
        pidx = row * _E
        ve = [
            plsc.load_gather(probs_v, [pidx + e])
            for e in range(_E)
        ]
        m1 = ve[0]
        i1 = jnp.zeros((_L,), jnp.int32)
        for e in range(1, _E):
            gt = ve[e] > m1
            m1 = jnp.where(gt, ve[e], m1)
            i1 = jnp.where(gt, jnp.full((_L,), e, jnp.int32), i1)
        m2 = jnp.full((_L,), -jnp.inf, jnp.float32)
        i2 = jnp.zeros((_L,), jnp.int32)
        for e in range(_E):
            eidx = jnp.full((_L,), e, jnp.int32)
            gt = jnp.logical_and(ve[e] > m2, eidx != i1)
            m2 = jnp.where(gt, ve[e], m2)
            i2 = jnp.where(gt, eidx, i2)
        oidx = row * _K
        plsc.store_scatter(outp_v, [oidx], m1)
        plsc.store_scatter(outp_v, [oidx + 1], m2)
        plsc.store_scatter(outi_v, [oidx], i1)
        plsc.store_scatter(outi_v, [oidx + 1], i2)
        return carry

    lax.fori_loop(0, _STEPS, step, 0)

    pltpu.sync_copy(outp_v, outp_hbm.at[pl.ds(base * _K, _TPW * _K)])
    pltpu.sync_copy(outi_v, outi_hbm.at[pl.ds(base * _K, _TPW * _K)])


def kernel(x, router_w, router_b):
    x2 = x.reshape(_N, _C)
    gate_probs = _router_tc(x2, router_w, router_b.reshape(1, _E))
    top_p, top_i = _sc_topk(jnp.full((_N * _E,), 0.125, jnp.float32))
    return (
        gate_probs.reshape(_B, _T, _E),
        top_p.reshape(_B, _T, _K),
        top_i.reshape(_B, _T, _K),
    )

# --- scband reference (transcript-rebuilt; emitter-appended) ---
"""Pipeline reference for scband-mo-e-62483184222753 (READ-ONLY COPY).

The authoritative reference and input builder live on the scoring server;
editing this copy changes nothing except your own understanding.
"""

import jax, jax.numpy as jnp
import numpy as np

B, T, C = 4, 4096, 2048
N_EXPERTS = 8
TOP_K = 2
EXPERT_LOAD_FACTOR = 1.25


def setup_inputs(seed: int = 0) -> dict:
    key = jax.random.key(seed)
    k1, k2 = jax.random.split(key, 2)
    x = jax.random.normal(k1, (B, T, C), dtype=jnp.float32)
    # router_gate = nnx.Linear(n_embed, n_experts)
    router_w = jax.random.normal(k2, (C, N_EXPERTS), dtype=jnp.float32) * (1.0 / np.sqrt(C))
    router_b = jnp.zeros((N_EXPERTS,), dtype=jnp.float32)
    return {"x": x, "router_w": router_w, "router_b": router_b}


def reference(x, router_w, router_b):
    # Faithful translation of MoE.__call__: router linear -> softmax -> per-batch top_k.
    Bx, Tx, Cx = x.shape
    g = jnp.einsum('btc,ce->bte', x, router_w) + router_b
    gate_probs = jax.nn.softmax(g, axis=-1)
    # expert capacity computed as in the original (scalar, does not affect outputs)
    expert_cap_per_batch = int(EXPERT_LOAD_FACTOR * TOP_K * max(1, Tx // N_EXPERTS))
    # assign_per_batch_experts vmapped over batch: top_k over gate probs
    top_k_probs, expert_indices = jax.lax.top_k(gate_probs, TOP_K)
    return gate_probs, top_k_probs, expert_indices

if __name__ == "__main__":
    import jax
    _d = setup_inputs()
    print(jax.jit(kernel)(*tuple(_d.values())))

</pallas_src>

<mosaic_0001>
#map = affine_map<(d0, d1) -> (0)>
module attributes {stable_mosaic.version = 14 : i64} {
  func.func @_sc_topk(%arg0: i32, %arg1: i32, %arg2: memref<131072xf32, #tpu.memory_space<hbm>>, %arg3: memref<32768xf32, #tpu.memory_space<hbm>>, %arg4: memref<32768xi32, #tpu.memory_space<hbm>>, %arg5: memref<4096xf32, #tpu.memory_space<vmem>>, %arg6: memref<1024xf32, #tpu.memory_space<vmem>>, %arg7: memref<1024xi32, #tpu.memory_space<vmem>>) attributes {dimension_semantics = [#tpu.dimension_semantics<core_parallel>, #tpu.dimension_semantics<subcore_parallel>], iteration_bounds = array<i64: 2, 16>, scalar_prefetch = 0 : i64, scratch_operands = 3 : i64, tpu.core_type = #tpu.core_type<sc_vector_subcore>, window_params = [{transform_indices = #map}, {transform_indices = #map}, {transform_indices = #map}]} {
    %mul3A = arith.constant 2 : i32
    %mul3A_0 = arith.muli %arg1, %mul3A : i32
    %add3A = arith.addi %mul3A_0, %arg0 : i32
    %mul3A_1 = arith.constant 512 : i32
    %mul3A_2 = arith.muli %add3A, %mul3A_1 : i32
    %mul3A_3 = arith.constant 8 : i32
    %mul3A_4 = arith.muli %mul3A_2, %mul3A_3 : i32
    "tpu.region"() ({
      %run_scoped3A = tpu.sem_alloc : memref<!tpu.dma_semaphore, #tpu.memory_space<semaphore_mem>>
      %dma_start3A = tpu.memref_slice %arg2[%mul3A_4] : memref<131072xf32, #tpu.memory_space<hbm>> -> memref<4096xf32, #tpu.memory_space<hbm>>
      %dma_start3A_9 = tpu.memref_slice %arg2[%mul3A_4] : memref<131072xf32, #tpu.memory_space<hbm>> -> memref<4096xf32, #tpu.memory_space<hbm>>
      tpu.enqueue_dma source(%dma_start3A_9 : memref<4096xf32, #tpu.memory_space<hbm>>) target(%arg5 : memref<4096xf32, #tpu.memory_space<vmem>>) target_semaphore(%run_scoped3A : memref<!tpu.dma_semaphore, #tpu.memory_space<semaphore_mem>>)
      %dma_wait3A = tpu.memref_slice %arg2[%mul3A_4] : memref<131072xf32, #tpu.memory_space<hbm>> -> memref<4096xf32, #tpu.memory_space<hbm>>
      %dma_wait3A_10 = tpu.memref_slice %arg2[%mul3A_4] : memref<131072xf32, #tpu.memory_space<hbm>> -> memref<4096xf32, #tpu.memory_space<hbm>>
      tpu.wait_dma2 semaphore(%run_scoped3A : memref<!tpu.dma_semaphore, #tpu.memory_space<semaphore_mem>>) src(%dma_wait3A_10 : memref<4096xf32, #tpu.memory_space<hbm>>) dst(%arg5 : memref<4096xf32, #tpu.memory_space<vmem>>)
      tpu.yield
    }) : () -> ()
    %iota3A = tpu.iota {dimensions = array<i32: 0>} : vector<16xi32>
    %mul3A_5 = arith.constant 2 : i32
    %mul3A_6 = arith.muli %mul3A_2, %mul3A_5 : i32
    "tpu.region"() ({
      %run_scoped3A = tpu.sem_alloc : memref<!tpu.dma_semaphore, #tpu.memory_space<semaphore_mem>>
      %dma_start3A = tpu.memref_slice %arg3[%mul3A_6] : memref<32768xf32, #tpu.memory_space<hbm>> -> memref<1024xf32, #tpu.memory_space<hbm>>
      %dma_start3A_9 = tpu.memref_slice %arg3[%mul3A_6] : memref<32768xf32, #tpu.memory_space<hbm>> -> memref<1024xf32, #tpu.memory_space<hbm>>
      tpu.enqueue_dma source(%arg6 : memref<1024xf32, #tpu.memory_space<vmem>>) target(%dma_start3A_9 : memref<1024xf32, #tpu.memory_space<hbm>>) target_semaphore(%run_scoped3A : memref<!tpu.dma_semaphore, #tpu.memory_space<semaphore_mem>>)
      %dma_wait3A = tpu.memref_slice %arg3[%mul3A_6] : memref<32768xf32, #tpu.memory_space<hbm>> -> memref<1024xf32, #tpu.memory_space<hbm>>
      %dma_wait3A_10 = tpu.memref_slice %arg3[%mul3A_6] : memref<32768xf32, #tpu.memory_space<hbm>> -> memref<1024xf32, #tpu.memory_space<hbm>>
      tpu.wait_dma2 semaphore(%run_scoped3A : memref<!tpu.dma_semaphore, #tpu.memory_space<semaphore_mem>>) src(%arg6 : memref<1024xf32, #tpu.memory_space<vmem>>) dst(%dma_wait3A_10 : memref<1024xf32, #tpu.memory_space<hbm>>)
      tpu.yield
    }) : () -> ()
    %mul3A_7 = arith.constant 2 : i32
    %mul3A_8 = arith.muli %mul3A_2, %mul3A_7 : i32
    "tpu.region"() ({
      %run_scoped3A = tpu.sem_alloc : memref<!tpu.dma_semaphore, #tpu.memory_space<semaphore_mem>>
      %dma_start3A = tpu.memref_slice %arg4[%mul3A_8] : memref<32768xi32, #tpu.memory_space<hbm>> -> memref<1024xi32, #tpu.memory_space<hbm>>
      %dma_start3A_9 = tpu.memref_slice %arg4[%mul3A_8] : memref<32768xi32, #tpu.memory_space<hbm>> -> memref<1024xi32, #tpu.memory_space<hbm>>
      tpu.enqueue_dma source(%arg7 : memref<1024xi32, #tpu.memory_space<vmem>>) target(%dma_start3A_9 : memref<1024xi32, #tpu.memory_space<hbm>>) target_semaphore(%run_scoped3A : memref<!tpu.dma_semaphore, #tpu.memory_space<semaphore_mem>>)
      %dma_wait3A = tpu.memref_slice %arg4[%mul3A_8] : memref<32768xi32, #tpu.memory_space<hbm>> -> memref<1024xi32, #tpu.memory_space<hbm>>
      %dma_wait3A_10 = tpu.memref_slice %arg4[%mul3A_8] : memref<32768xi32, #tpu.memory_space<hbm>> -> memref<1024xi32, #tpu.memory_space<hbm>>
      tpu.wait_dma2 semaphore(%run_scoped3A : memref<!tpu.dma_semaphore, #tpu.memory_space<semaphore_mem>>) src(%arg7 : memref<1024xi32, #tpu.memory_space<vmem>>) dst(%dma_wait3A_10 : memref<1024xi32, #tpu.memory_space<hbm>>)
      tpu.yield
    }) : () -> ()
    return
  }
}

module attributes {stable_mosaic.version = 14 : i64} {
  func.func @_router_tc_body(%arg0: i32, %arg1: memref<512x512xf32, #tpu.memory_space<vmem>>, %arg2: memref<512x512xf32, #tpu.memory_space<vmem>>, %arg3: memref<512x512xf32, #tpu.memory_space<vmem>>, %arg4: memref<512x512xf32, #tpu.memory_space<vmem>>, %arg5: memref<2048x8xf32, #tpu.memory_space<vmem>>, %arg6: memref<1x8xf32, #tpu.memory_space<vmem>>, %arg7: memref<512x8xf32, #tpu.memory_space<vmem>>) attributes {dimension_semantics = [#tpu.dimension_semantics<arbitrary>], iteration_bounds = array<i64: 32>, scalar_prefetch = 0 : i64, scratch_operands = 0 : i64, tpu.core_type = #tpu.core_type<tc>, window_params = [{transform_indices = @transform_0, window_bounds = array<i64: 512, 512>}, {transform_indices = @transform_1, window_bounds = array<i64: 512, 512>}, {transform_indices = @transform_2, window_bounds = array<i64: 512, 512>}, {transform_indices = @transform_3, window_bounds = array<i64: 512, 512>}, {pipeline_mode = #tpu.pipeline_mode<synchronous>, transform_indices = @transform_4, window_bounds = array<i64: 2048, 8>}, {pipeline_mode = #tpu.pipeline_mode<synchronous>, transform_indices = @transform_5, window_bounds = array<i64: 1, 8>}, {transform_indices = @transform_6, window_bounds = array<i64: 512, 8>}]} {
    %get3A = arith.constant 0 : index
    %get3A_0 = arith.constant 0 : index
    %get3A_1 = vector.load %arg6[%get3A, %get3A_0] : memref<1x8xf32, #tpu.memory_space<vmem>>, vector<1x8xf32>
    %get3A_2 = arith.constant 0 : index
    %get3A_3 = arith.constant 0 : index
    %get3A_4 = vector.load %arg1[%get3A_2, %get3A_3] : memref<512x512xf32, #tpu.memory_space<vmem>>, vector<512x512xf32>
    %get3A_5 = arith.constant 0 : index
    %get3A_6 = arith.constant 0 : index
    %get3A_7 = vector.load %arg5[%get3A_5, %get3A_6] : memref<2048x8xf32, #tpu.memory_space<vmem>>, vector<512x8xf32>
    %dot_general3A = arith.constant dense<0.000000e+00> : vector<512x8xf32>
    %dot_general3A_8 = tpu.matmul %get3A_4, %get3A_7, %dot_general3A {dimension_numbers = #tpu.dot_dimension_numbers<[1], [0], [0], [1], [0, 0, 1, 1], [], []>, transpose_lhs_hint = false} : vector<512x512xf32>, vector<512x8xf32>, vector<512x8xf32> -> vector<512x8xf32>
    %add3A = vector.broadcast %get3A_1 : vector<1x8xf32> to vector<512x8xf32>
    %add3A_9 = arith.addf %add3A, %dot_general3A_8 : vector<512x8xf32>
    %get3A_10 = arith.constant 0 : index
    %get3A_11 = arith.constant 0 : index
    %get3A_12 = vector.load %arg2[%get3A_10, %get3A_11] : memref<512x512xf32, #tpu.memory_space<vmem>>, vector<512x512xf32>
    %get3A_13 = arith.constant 512 : index
    %get3A_14 = arith.constant 0 : index
    %get3A_15 = vector.load %arg5[%get3A_13, %get3A_14] : memref<2048x8xf32, #tpu.memory_space<vmem>>, vector<512x8xf32>
    %dot_general3A_16 = arith.constant dense<0.000000e+00> : vector<512x8xf32>
    %dot_general3A_17 = tpu.matmul %get3A_12, %get3A_15, %dot_general3A_16 {dimension_numbers = #tpu.dot_dimension_numbers<[1], [0], [0], [1], [0, 0, 1, 1], [], []>, transpose_lhs_hint = false} : vector<512x512xf32>, vector<512x8xf32>, vector<512x8xf32> -> vector<512x8xf32>
    %add3A_18 = arith.addf %add3A_9, %dot_general3A_17 : vector<512x8xf32>
    %get3A_19 = arith.constant 0 : index
    %get3A_20 = arith.constant 0 : index
    %get3A_21 = vector.load %arg3[%get3A_19, %get3A_20] : memref<512x512xf32, #tpu.memory_space<vmem>>, vector<512x512xf32>
    %get3A_22 = arith.constant 1024 : index
    %get3A_23 = arith.constant 0 : index
    %get3A_24 = vector.load %arg5[%get3A_22, %get3A_23] : memref<2048x8xf32, #tpu.memory_space<vmem>>, vector<512x8xf32>
    %dot_general3A_25 = arith.constant dense<0.000000e+00> : vector<512x8xf32>
    %dot_general3A_26 = tpu.matmul %get3A_21, %get3A_24, %dot_general3A_25 {dimension_numbers = #tpu.dot_dimension_numbers<[1], [0], [0], [1], [0, 0, 1, 1], [], []>, transpose_lhs_hint = false} : vector<512x512xf32>, vector<512x8xf32>, vector<512x8xf32> -> vector<512x8xf32>
    %add3A_27 = arith.addf %add3A_18, %dot_general3A_26 : vector<512x8xf32>
    %get3A_28 = arith.constant 0 : index
    %get3A_29 = arith.constant 0 : index
    %get3A_30 = vector.load %arg4[%get3A_28, %get3A_29] : memref<512x512xf32, #tpu.memory_space<vmem>>, vector<512x512xf32>
    %get3A_31 = arith.constant 1536 : index
    %get3A_32 = arith.constant 0 : index
    %get3A_33 = vector.load %arg5[%get3A_31, %get3A_32] : memref<2048x8xf32, #tpu.memory_space<vmem>>, vector<512x8xf32>
    %dot_general3A_34 = arith.constant dense<0.000000e+00> : vector<512x8xf32>
    %dot_general3A_35 = tpu.matmul %get3A_30, %get3A_33, %dot_general3A_34 {dimension_numbers = #tpu.dot_dimension_numbers<[1], [0], [0], [1], [0, 0, 1, 1], [], []>, transpose_lhs_hint = false} : vector<512x512xf32>, vector<512x8xf32>, vector<512x8xf32> -> vector<512x8xf32>
    %add3A_36 = arith.addf %add3A_27, %dot_general3A_35 : vector<512x8xf32>
    %reduce_max3A = arith.constant dense<0xFF800000> : vector<512xf32>
    %reduce_max3A_37 = vector.multi_reduction <maximumf>, %add3A_36, %reduce_max3A [1] : vector<512x8xf32> to vector<512xf32>
    %broadcast_in_dim3A = vector.shape_cast %reduce_max3A_37 : vector<512xf32> to vector<512x1xf32>
    %sub3A = vector.broadcast %broadcast_in_dim3A : vector<512x1xf32> to vector<512x8xf32>
    %sub3A_38 = arith.subf %add3A_36, %sub3A : vector<512x8xf32>
    %exp3A = math.exp %sub3A_38 : vector<512x8xf32>
    %reduce_sum3A = arith.constant dense<0.000000e+00> : vector<512xf32>
    %reduce_sum3A_39 = vector.multi_reduction <add>, %exp3A, %reduce_sum3A [1] : vector<512x8xf32> to vector<512xf32>
    %broadcast_in_dim3A_40 = vector.shape_cast %reduce_sum3A_39 : vector<512xf32> to vector<512x1xf32>
    %div3A = vector.broadcast %broadcast_in_dim3A_40 : vector<512x1xf32> to vector<512x8xf32>
    %div3A_41 = arith.divf %exp3A, %div3A : vector<512x8xf32>
    %swap3A = arith.constant 0 : index
    %swap3A_42 = arith.constant 0 : index
    %swap3A_43 = vector.load %arg7[%swap3A, %swap3A_42] : memref<512x8xf32, #tpu.memory_space<vmem>>, vector<512x8xf32>
    tpu.vector_store %arg7[%swap3A, %swap3A_42], %div3A_41 {strides = array<i32>} : memref<512x8xf32, #tpu.memory_space<vmem>>, vector<512x8xf32>,
    return
  }
  func.func @transform_0(%arg0: i32) -> (i32, i32) {
    %c0_i32 = arith.constant 0 : i32
    %c0_i32_0 = arith.constant 0 : i32
    return %arg0, %c0_i32 : i32, i32
  }
  func.func @transform_1(%arg0: i32) -> (i32, i32) {
    %c1_i32 = arith.constant 1 : i32
    %c0_i32 = arith.constant 0 : i32
    return %arg0, %c1_i32 : i32, i32
  }
  func.func @transform_2(%arg0: i32) -> (i32, i32) {
    %c2_i32 = arith.constant 2 : i32
    %c0_i32 = arith.constant 0 : i32
    return %arg0, %c2_i32 : i32, i32
  }
  func.func @transform_3(%arg0: i32) -> (i32, i32) {
    %c3_i32 = arith.constant 3 : i32
    %c0_i32 = arith.constant 0 : i32
    return %arg0, %c3_i32 : i32, i32
  }
  func.func @transform_4(%arg0: i32) -> (i32, i32) {
    %c0_i32 = arith.constant 0 : i32
    %c0_i32_0 = arith.constant 0 : i32
    %c0_i32_1 = arith.constant 0 : i32
    return %c0_i32, %c0_i32_0 : i32, i32
  }
  func.func @transform_5(%arg0: i32) -> (i32, i32) {
    %c0_i32 = arith.constant 0 : i32
    %c0_i32_0 = arith.constant 0 : i32
    %c0_i32_1 = arith.constant 0 : i32
    return %c0_i32, %c0_i32_0 : i32, i32
  }
  func.func @transform_6(%arg0: i32) -> (i32, i32) {
    %c0_i32 = arith.constant 0 : i32
    %c0_i32_0 = arith.constant 0 : i32
    return %arg0, %c0_i32 : i32, i32
  }
}

</mosaic_0001>

<sc_bundles>
// kernel: kernel.4.cloned.1.call-start
scs
__scs_entry_jumppad:
0x0: {  	(pc) =	sbr.rel $0x88, $3  }
0x1: {  	(tag) =	ssettag $0x0;
	lr =	simm.s32 $0x1  }
0x2: {  	[smem:$0x3F9E] =	sst lr;
	_ =	strace $0xD0000000  }
0x3: {  	_ = 	snop  }
0x4: {  	_ = 	snop  }
0x5: {  	_ = 	snop  }
0x6: {  	_ = 	snop  }
0x7: {  	_ = 	snop  }
__scs_overlays_trampoline_lowered:
0x8: {  	[smem:$0x3FAD] =	sst s0  }
0x9: {  	[smem:$0x3FAE] =	sst s1  }
0xa: {  	[smem:$0x3FAF] =	sst s2  }
0xb: {  	[smem:$0x3FB0] =	sst s3  }
0xc: {  	[smem:$0x3FB1] =	sst s4  }
0xd: {  	[smem:$0x3FB2] =	sst s5  }
0xe: {  	[smem:$0x3FB3] =	sst s6  }
0xf: {  	[smem:$0x3FB4] =	sst s7  }
0x10: {  	[smem:$0x3FB5] =	sst s8  }
0x11: {  	[smem:$0x3FB6] =	sst s9;
	s0 =	simm.s32 @!p0 $0x0  }
0x12: {  	s1 =	sld [smem:$0x3F9C];
	s0 =	simm.s32 @p0 $0x1  }
0x13: {  	[smem:$0x3FB7] =	sst s0;
	s0 =	simm.s32 @!p1 $0x0  }
0x14: {  	s2 =	sld [smem:$0x3F9B];
	s0 =	simm.s32 @p1 $0x1  }
0x15: {  	[smem:$0x3FB8] =	sst s0;
	s0 =	simm.s32 @!p2 $0x0  }
0x16: {  	s3 =	sld [smem:$0x3FDB];
	s0 =	simm.s32 @p2 $0x1  }
0x17: {  	s4 =	simm.s32 $0x1BF5;
	[smem:$0x3FBA] =	sst s0  }
0x18: {  	s0 =	sld [smem:$0x3F9D];
	_ =	swait.ge [sflag:s4], $0x0  }
0x19: {  	s7 =	sld [smem:$0x3F9E]  }
0x1a: {  	s8 =	sadd.s32 $0xFFFFE003, lr  }
0x1b: {  	s9 =	sadd.s32 $0xFFFFFEF7, lr;
	s5 =	simm.s32 $0xFFFFFFFF;
	p2 =	slt.u32 s8, $0xFFFFF086  }
0x1c: {  	p1 =	slt.u32 s9, $0xF7A;
	s5 =	simm.s32 @!p2 $0x0  }
0x1d: {  	s5 =	simm.s32 @p1 $0x1;
	p0 =	seq.s32 s7, s2  }
0x1e: {  	s7 =	smul.u32 @!p0 $0xF7A, s2;
	p2 =	seq.s32 @!p0 s5, $0x0  }
0x1f: {  	s9 =	smul.u32 $0xF7A, s1;
	s8 =	simm.s32 @!p0 $0x1BF5;
	p2 =	por !p2, p0  }
0x20: {  	[sflag:s8] =	ssyncset.s32 @!p0 $0xFFFFF086;
	s6 =	sadd.s32 @!p0 s3, s7;
	s7 =	simm.s32 @!p0 $0x108  }
0x21: {  	s3 =	sadd.s32 s3, s9;
	s6 =	sadd.s32 @!p0 $0x88, s6;
	s7 =	simm.s32 @p2 $0x1082  }
0x22: {  	[simem:s7], [sflag:s8] =	dma.local @!p0 [hbm:s6], $0xF7A  }
0x23: {  	s9 =	sor.u32 $0xD0000000, s2;
	s6 =	simm.s32 $0x108;
	_ =	swait.ge @!p0 [sflag:s8], $0x0  }
0x24: {  	s3 =	sadd.s32 $0x88, s3;
	s6 =	simm.s32 @!p1 $0x1082;
	[sflag:s4] =	ssyncset.s32 $0xFFFFF086  }
0x25: {  	[simem:s6], [sflag:s4] =	dma.local [hbm:s3], $0xF7A  }
0x26: {  	[smem:$0x3F9E] =	sst s1;
	(tag) =	ssettag s2;
	_ =	strace s9  }
0x27: {  	s1 =	sld [smem:$0x3FAE]  }
0x28: {  	s2 =	sld [smem:$0x3FAF]  }
0x29: {  	s4 =	sld [smem:$0x3FB1]  }
0x2a: {  	p0 =	seq.s32 s5, $0x0;
	s5 =	sld [smem:$0x3FB2]  }
0x2b: {  	s6 =	sld [smem:$0x3FB3]  }
0x2c: {  	s7 =	sld [smem:$0x3FB4]  }
0x2d: {  	s3 =	simm.s32 $0x108;
	s8 =	sld [smem:$0x3FB5]  }
0x2e: {  	s3 =	simm.s32 @!p0 $0x1082;
	s9 =	sld [smem:$0x3FB6]  }
0x2f: {  	lr =	sadd.s32 s0, s3;
	s0 =	sld [smem:$0x3FAD]  }
0x30: {  	s3 =	sld [smem:$0x3FB0]  }
0x31: {  	[smem:$0x3FB9] =	sst s10  }
0x32: {  	s10 =	sld [smem:$0x3FB7];
	_ =	sdelay $0x3  }
0x33: {  	p0 =	seq.s32 s10, $0x1;
	s10 =	sld [smem:$0x3FB9];
	_ =	sdelay $0x3  }
0x34: {  	[smem:$0x3FB9] =	sst s10  }
0x35: {  	s10 =	sld [smem:$0x3FB8];
	_ =	sdelay $0x3  }
0x36: {  	p1 =	seq.s32 s10, $0x1;
	s10 =	sld [smem:$0x3FB9];
	_ =	sdelay $0x3  }
0x37: {  	[smem:$0x3FB9] =	sst s10  }
0x38: {  	s10 =	sld [smem:$0x3FBA]  }
0x39: {  	_ = 	snop;
	(pc) =	sbr.ind lr, $3  }
0x3a: {  	_ = 	snop  }
0x3b: {  	_ = 	snop  }
0x3c: {  	p2 =	seq.s32 s10, $0x1;
	s10 =	sld [smem:$0x3FB9]  }
0x3d: {  	_ =	shalt  }
0x3e: {  	_ =	shalt  }
0x3f: {  	_ =	shalt  }
0x40: {  	_ =	shalt  }
0x41: {  	_ =	shalt  }
0x42: {  	_ =	shalt  }
0x43: {  	_ =	shalt  }
0x44: {  	_ =	shalt  }
0x45: {  	_ =	shalt  }
0x46: {  	_ =	shalt  }
0x47: {  	_ =	shalt  }
0x48: {  	_ =	shalt  }
0x49: {  	_ =	shalt  }
0x4a: {  	_ =	shalt  }
0x4b: {  	_ =	shalt  }
0x4c: {  	_ =	shalt  }
0x4d: {  	_ =	shalt  }
0x4e: {  	_ =	shalt  }
0x4f: {  	_ =	shalt  }
0x50: {  	_ =	shalt  }
0x51: {  	_ =	shalt  }
0x52: {  	_ =	shalt  }
0x53: {  	_ =	shalt  }
0x54: {  	_ =	shalt  }
0x55: {  	_ =	shalt  }
0x56: {  	_ =	shalt  }
0x57: {  	_ =	shalt  }
0x58: {  	_ =	shalt  }
0x59: {  	_ =	shalt  }
0x5a: {  	_ =	shalt  }
0x5b: {  	_ =	shalt  }
0x5c: {  	_ =	shalt  }
0x5d: {  	_ =	shalt  }
0x5e: {  	_ =	shalt  }
0x5f: {  	_ =	shalt  }
0x60: {  	_ =	shalt  }
0x61: {  	_ =	shalt  }
0x62: {  	_ =	shalt  }
0x63: {  	_ =	shalt  }
0x64: {  	_ =	shalt  }
0x65: {  	_ =	shalt  }
0x66: {  	_ =	shalt  }
0x67: {  	_ =	shalt  }
0x68: {  	_ =	shalt  }
0x69: {  	_ =	shalt  }
0x6a: {  	_ =	shalt  }
0x6b: {  	_ =	shalt  }
0x6c: {  	_ =	shalt  }
0x6d: {  	_ =	shalt  }
0x6e: {  	_ =	shalt  }
0x6f: {  	_ =	shalt  }
0x70: {  	_ =	shalt  }
0x71: {  	_ =	shalt  }
0x72: {  	_ =	shalt  }
0x73: {  	_ =	shalt  }
0x74: {  	_ =	shalt  }
0x75: {  	_ =	shalt  }
0x76: {  	_ =	shalt  }
0x77: {  	_ =	shalt  }
0x78: {  	_ =	shalt  }
0x79: {  	_ =	shalt  }
0x7a: {  	_ =	shalt  }
0x7b: {  	_ =	shalt  }
0x7c: {  	_ =	shalt  }
0x7d: {  	_ =	shalt  }
0x7e: {  	_ =	shalt  }
0x7f: {  	_ =	shalt  }
0x80: {  	_ =	shalt  }
0x81: {  	_ =	shalt  }
0x82: {  	_ =	shalt  }
0x83: {  	_ =	shalt  }
0x84: {  	_ =	shalt  }
0x85: {  	_ =	shalt  }
0x86: {  	_ =	shalt  }
0x87: {  	_ =	shalt  }
.Lfunc_end0:
.L_simem_size_0:
called_computation_lowered:
.L_overlay_start_0:
0x88: {  	s2 =	sld [smem:$0x3FD9]  }
0x89: {  	s3 =	sld [smem:$0x3FFE];
	_ =	sdelay $0x1  }
0x8a: {  	s1 =	srdreg.scid  }
0x8b: {  	s0 =	sand.u32 $0x1, s1  }
0x8c: {  	s14 =	sshll.u32 s0, $0xA;
	s2 =	sadd.s32 s3, s2  }
0x8d: {  	s2 =	sadd.s32 s2, s14  }
0x8e: {  	[smem:$0x3FC5] =	sst s2  }
0x8f: {  	_ = 	snop  }
0x90: {  	s2 =	sld [smem:$0x3FD0];
	_ =	sdelay $0x2  }
0x91: {  	s15 =	simm.s32 $0xA;
	s4 =	simm.s32 $0x10  }
0x92: {  	[smem:s4], [sflag:s15] =	dma.local [hbm:s2], $0x1  }
0x93: {  	_ =	swait.eq [sflag:s15], $0x1  }
0x94: {  	[sflag:s15] =	ssyncset.done $0x0  }
0x95: {  	[sflag:s15] =	ssyncadd.s32 $0xFFFFFFFF  }
0x96: {  	s16 =	sld [smem:$0x12];
	(tm) =	ssettm $0x1  }
0x97: {  	s17 =	sld [smem:$0x3FFB];
	_ =	sdelay $0x3  }
0x98: {  	_ =	strace s17  }
0x99: {  	s3 =	sld [smem:$0x3FFC];
	_ =	sdelay $0x3  }
0x9a: {  	_ =	strace s3  }
0x9b: {  	s3 =	sld [smem:$0x3FFD];
	_ =	sdelay $0x3  }
0x9c: {  	_ =	strace s3  }
0x9d: {  	_ =	strace $0x8FFFFFFF  }
0x9e: {  	s18 =	sld [smem:$0x3FDB];
	_ =	sdelay $0x1  }
0x9f: {  	s19 =	simm.s32 $_scs_section_size  }
0xa0: {  	s5 =	simm.s32 $_size__tile_overlayer_lowered;
	s6 =	simm.s32 $_tile_overlayer_lowered  }
0xa1: {  	s22 =	simm.s32 $0x1BFF;
	s21 =	sshll.u32 s6, $0x1;
	s3 =	sadd.s32 s19, s18  }
0xa2: {  	s7 =	simm.s32 $0x0;
	s20 =	sshll.u32 s5, $0x1;
	s5 =	sadd.s32 s21, s3  }
0xa3: {  	[timem:s7], [sflag:s22] =	dma.local [hbm:s5], s20  }
0xa4: {  	_ =	swait.ge [sflag:s22], s20  }
0xa5: {  	s4 =	ssub.s32 $0x0, s20;
	[sflag:s22] =	ssyncset.done $0x0  }
0xa6: {  	[sflag:s22] =	ssyncadd.s32 s4;
	_ =	sdelay $0x1  }
0xa7: {  	s23 =	simm.s32 $0x1B8B  }
0xa8: {  	_ =	swait.ge [sflag:s23], $0x1  }
0xa9: {  	[sflag:s23] =	ssyncset.done $0x0  }
0xaa: {  	s25 =	simm.s32 $0x1B8E;
	s24 =	sld [smem:$0x3FFE];
	[sflag:s23] =	ssyncadd.s32 $0xFFFFFFFF  }
0xab: {  	s26 =	simm.s32 $execute0_lowered;
	[smem:$0x3FD2] =	sst s25  }
0xac: {  	s5 =	sshll.u32 s26, $0x1;
	_ =	strace $0x80000046;
	[dreg:$0x1] =	wrdreg $0xFFFFFFFF  }
0xad: {  	s28 =	simm.s32 $_size_execute0_lowered;
	s3 =	sadd.s32 s3, s5;
	[dreg:$0x0] =	wrdreg $0x0  }
0xae: {  	s5 =	sshll.u32 s28, $0x1;
	[dreg:$0x2] =	wrdreg s3  }
0xaf: {  	[dreg:$0x3] =	wrdreg s5  }
0xb0: {  	[dreg:$0x4] =	wrdreg $0xC0  }
0xb1: {  	_ =	task [dreg:s7], $0x5FFFF  }
0xb2: {  	[dreg:$0x1] =	wrdreg $0xFFFFFFFF  }
0xb3: {  	[dreg:$0x0] =	wrdreg $0x60  }
0xb4: {  	[dreg:$0x2] =	wrdreg s24  }
0xb5: {  	[dreg:$0x3] =	wrdreg s16  }
0xb6: {  	[dreg:$0x4] =	wrdreg $0x9  }
0xb7: {  	_ =	task.clear_ibuf [dreg:s7], $0x5FFFF;
	_ =	strace $0x90000046  }
0xb8: {  	s29 =	simm.s32 $0x9;
	_ =	strace $0x80000048  }
0xb9: {  	_ =	swait.ge [sflag:s29], $0x1  }
0xba: {  	[sflag:s29] =	ssyncadd.s32 $0xFFFFFFFF  }
0xbb: {  	_ =	strace $0x90000048  }
0xbc: {  	_ =	sfence  }
0xbd: {  	s30 =	sld [smem:$0x0];
	_ =	sdelay $0x2  }
0xbe: {  	s31 =	sshll.u32 s1, $0xD;
	s1 =	sshrl.u32 s1, $0x2  }
0xbf: {  	s3 =	sand.u32 $0x4000, s31;
	s1 =	sadd.s32 s1, s30  }
0xc0: {  	s0 =	sor.u32 s3, s0;
	s1 =	sshll.u32 s1, $0x11  }
0xc1: {  	s0 =	sor.u32 s1, s0  }
0xc2: {  	s0 =	sadd.s32 $0x8F2B, s0  }
0xc3: {  	[sflag:s0] =	ssyncadd.remote.s32 $0x1  }
0xc4: {  	_ =	sfence.sel $0xFFFF  }
0xc5: {  	[dreg:$0x0] =	wrdreg $0xFFFFFFFF;
	(pc) =	sbr.abs _section_cstart, $3  }
0xc6: {  	[dreg:$0x1] =	wrdreg $0xFFFFFFFF  }
0xc7: {  	_ =	task.clear_ibuf [dreg:s7], $0x2FFFF;
	_ =	strace $0x9FFFFFFF  }
0xc8: {  	(tm) =	ssettm $0x7FFFFFFF  }
0xc9: {  	_ =	shalt  }
tec
execute0_lowered:
.L_overlay_start_1:
0x0: {  	(tag) =	ssettag $0x1  }
0x1: {  	s1 =	srdreg.scid  }
0x2: {  	s0 =	stileid.u32;
	s7 =	rddreg [dreg:$0x0]  }
0x3: {  	s6 =	rddreg [dreg:$0x1];
	s5 =	sand.u32 $0x1, s1;
	s30 =	sshll.u32 s0, $0x1  }
0x4: {  	s2 =	simm.s32 $0x0;
	s1 =	rddreg [dreg:$0x2];
	s8 =	sor.u32 s5, s30  }
0x5: {  	[smem:$0x7FF] =	sst s2;
	s3 =	sshll.u32 s8, $0x9  }
0x6: {  	_ =	strace $0x80000047;
	s9 =	ssub.s32 $0x2, s5;
	s3 =	sadd.s32 s3, s7  }
0x7: {  	s8 =	sshll.u32 s8, $0x7;
	s4 =	sadd.s32 $0xC00, s3;
	s3 =	simm.s32 $0x1  }
0x8: {  	[tilespmem:s2], [sflag:$0x1] =	stream.linear.gather [hbm4b:s4+s2], $0x1000, $0x38;
	[tilespmem:$0x1800] =	vst v63  }
0x9: {  	s31 =	sshrl.u32 s9, $0x1;
	s5 =	sadd.s32 s6, s8;
	_ =	swait.ge [sflag:s3], $0x1000  }
0xa: {  	s7 =	sadd.s32 s8, s7;
	s8 =	ssub.s32 s9, s31;
	[sflag:s3] =	ssyncset.done $0x0  }
0xb: {  	s6 =	simm.s32 $0x1000;
	s9 =	smax.u32 s8, $0x1;
	[sflag:s3] =	ssyncadd.s32 $0xFFFFF000  }
0xc: {  	[hbm4b:s5+s2] =	stream.linear.scatter [tilespmem:s6], [sflag:$0x1], $0x400, $0x38;
	[tilespmem:$0x1800] =	vst v63  }
0xd: {  	p0 =	sne.s32 s9, $0x1;
	_ =	swait.ge [sflag:s3], $0x400  }
.Ltmp0:
0xe: {  	[sflag:s3] =	ssyncset.done $0x0;
	(pc) =	sbr.rel @!p0 .LBB2_2-.Ltmp0, $4  }
0xf: {  	s7 =	sadd.s32 $0x4C00, s7;
	s8 =	simm.s32 $0x1400;
	[sflag:s3] =	ssyncadd.s32 $0xFFFFFC00  }
0x10: {  	[hbm4b:s7+s2] =	stream.linear.scatter [tilespmem:s8], [sflag:$0x1], $0x400, $0x38;
	[tilespmem:$0x1800] =	vst v63  }
0x11: {  	_ =	swait.ge [sflag:s3], $0x400  }
0x12: {  	s9 =	sadd.s32 $0xFFFFFFFF, s9;
	[sflag:s3] =	ssyncset.done $0x0  }
.LBB2_1:
0x13: {  	p0 =	sne.s32 s9, $0x1;
	s9 =	sadd.s32 $0xFFFFFFFF, s9;
	[sflag:s3] =	ssyncadd.s32 $0xFFFFFC00  }
0x14: {  	[tilespmem:s2], [sflag:$0x1] =	stream.linear.gather [hbm4b:s4+s2], $0x1000, $0x38;
	[tilespmem:$0x1800] =	vst v63  }
0x15: {  	_ =	swait.ge [sflag:s3], $0x1000  }
0x16: {  	[sflag:s3] =	ssyncset.done $0x0  }
0x17: {  	[sflag:s3] =	ssyncadd.s32 $0xFFFFF000  }
0x18: {  	[hbm4b:s5+s2] =	stream.linear.scatter [tilespmem:s6], [sflag:$0x1], $0x400, $0x38;
	[tilespmem:$0x1800] =	vst v63  }
0x19: {  	_ =	swait.ge [sflag:s3], $0x400  }
.Ltmp1:
0x1a: {  	[sflag:s3] =	ssyncset.done $0x0;
	(pc) =	sbr.rel @p0 .LBB2_1-.Ltmp1, $4  }
0x1b: {  	[sflag:s3] =	ssyncadd.s32 $0xFFFFFC00  }
0x1c: {  	[hbm4b:s7+s2] =	stream.linear.scatter [tilespmem:s8], [sflag:$0x1], $0x400, $0x38;
	[tilespmem:$0x1800] =	vst v63  }
0x1d: {  	_ =	swait.ge [sflag:s3], $0x400  }
0x1e: {  	[sflag:s3] =	ssyncset.done $0x0  }
.LBB2_2:
0x1f: {  	[sflag:s3] =	ssyncadd.s32 $0xFFFFFC00  }
0x20: {  	_ =	sfence.sel $0x180000  }
0x21: {  	[bflag:$0x0] =	sbarrier.arrive $0xFFFF  }
0x22: {  	p0 =	sne.s32 s0, $0x0;
	_ =	strace $0x90000047  }
0x23: {  	s0 =	sadd.s32 @!p0 $0x100000, s1;
	[bflag:$0x2] =	sbarrier.arrive $0xFFFF  }
0x24: {  	[sflag:s0] =	ssyncadd.tile.s32 @!p0 $0x1;
	_ =	shalt  }
.Lfunc_end2:
_tile_overlayer_lowered:
.L_overlay_start_2:
0x25: {  	(tag) =	ssettag $0x2  }
0x26: {  	s0 =	rddreg [dreg:$0x0];
	s2 =	stileid.u32  }
0x27: {  	s1 =	rddreg [dreg:$0x1];
	p0 =	sne.s32 s2, $0x0  }
0x28: {  	s3 =	rddreg [dreg:$0x2];
	[bflag:$0x3] =	sbarrier.arrive $0xFFFF;
	s2 =	simm.s32 @!p0 $0x1C01  }
0x29: {  	[timem:s3], [sflag:s2] =	dma.local @!p0 [hbm:s0], s1  }
0x2a: {  	s0 =	simm.s32 @!p0 $0x1  }
0x2b: {  	_ =	swait.ge @!p0 [sflag:s0], s1  }
0x2c: {  	s1 =	ssub.s32 @!p0 $0x0, s1;
	[sflag:s0] =	ssyncset.done @!p0 $0x0  }
0x2d: {  	[sflag:s0] =	ssyncadd.s32 @!p0 s1  }
0x2e: {  	[bflag:$0x3] =	sbarrier.arrive $0xFFFF  }
0x2f: {  	_ =	shalt  }

</sc_bundles>
